<compile_context>
chip_gen: v7x
topology: tpu7x:2x2x1
jax: 0.10.2.dev20260603
libtpu: 0.0.44.dev20260713+nightly
codegen_flags: <defaults>
</compile_context>

<pallas_src>
import functools

import jax
import jax.numpy as jnp
from jax import lax
from jax.experimental import pallas as pl
from jax.experimental.pallas import tpu as pltpu
from jax.experimental.pallas import tpu_sc as plsc

_N_ATOMS = 3_200_000
_N_GRAPHS = 16384
_N_ELEM = 118
_NC = 2
_NS = 16
_NW = _NC * _NS
_CHUNK = _N_ATOMS // _NW
_BLK = 10_000
_NBLK = _CHUNK // _BLK
_NVEC = _BLK // 16


def _sc_partial_segsum(lin_hbm, z_hbm, b_hbm, out_hbm, table_v, z0_v, z1_v, b0_v, b1_v, acc_v, sems):
    zbufs = (z0_v, z1_v)
    bbufs = (b0_v, b1_v)
    cid = lax.axis_index("c")
    sid = lax.axis_index("s")
    wid = cid * _NS + sid
    base = pl.multiple_of(wid * _CHUNK, 8)

    zero16 = jnp.zeros((16,), jnp.float32)

    iota = lax.iota(jnp.int32, 16)
    is_last = iota == 15
    not_last = iota < 15

    def _copies(blk, k):
        off = pl.multiple_of(base + blk * _BLK, 8)
        return (
            pltpu.make_async_copy(z_hbm.at[pl.ds(off, _BLK)], zbufs[k], sems.at[k, 0]),
            pltpu.make_async_copy(b_hbm.at[pl.ds(off, _BLK)], bbufs[k].at[pl.ds(0, _BLK)], sems.at[k, 1]),
        )

    def _start(blk, k):
        for c in _copies(blk, k):
            c.start()

    def _wait(blk, k):
        for c in _copies(blk, k):
            c.wait()

    def _compute(k):
        zb = zbufs[k]
        bb = bbufs[k]

        @plsc.parallel_loop(0, _NVEC, unroll=2)
        def _(i):
            s = i * 16
            z = zb[pl.ds(s, 16)]
            b = bb[pl.ds(s, 16)]
            bn = bb[pl.ds(s + 1, 16)]
            v = plsc.load_gather(table_v, [z * 16 + iota])
            c = plsc.cumsum(v)
            m = (b != bn) & not_last
            plsc.addupdate_scatter(acc_v, [b], c, mask=m | is_last)
            plsc.addupdate_scatter(acc_v, [bn], -c, mask=m)

    _start(0, 0)
    _start(1, 1)
    pltpu.sync_copy(lin_hbm, table_v)

    @plsc.parallel_loop(0, _N_GRAPHS // 16, unroll=8)
    def _(i):
        acc_v[pl.ds(i * 16, 16)] = zero16

    def blk_pair(p, _):
        blk = 2 * p
        _wait(blk, 0)
        _compute(0)

        @pl.when(blk + 2 < _NBLK)
        def _():
            _start(blk + 2, 0)

        _wait(blk + 1, 1)
        _compute(1)

        @pl.when(blk + 3 < _NBLK)
        def _():
            _start(blk + 3, 1)

        return 0

    lax.fori_loop(0, _NBLK // 2, blk_pair, 0)

    if _NBLK % 2 == 1:
        _wait(_NBLK - 1, 0)
        _compute(0)

    pltpu.sync_copy(acc_v, out_hbm.at[wid])


def _merge_body(p_ref, o_ref):
    o_ref[...] = jnp.sum(p_ref[...], axis=0, keepdims=True)


@jax.jit
def kernel(lin_ref, atomic_numbers, batch_ids):
    sc = pl.kernel(
        _sc_partial_segsum,
        out_type=jax.ShapeDtypeStruct((_NW, _N_GRAPHS), jnp.float32),
        mesh=plsc.VectorSubcoreMesh(core_axis_name="c", subcore_axis_name="s"),
        compiler_params=pltpu.CompilerParams(needs_layout_passes=False),
        scratch_types=[
            pltpu.VMEM((_N_ELEM * 16,), jnp.float32),
            pltpu.VMEM((_BLK,), jnp.int32),
            pltpu.VMEM((_BLK,), jnp.int32),
            pltpu.VMEM((_BLK + 16,), jnp.int32),
            pltpu.VMEM((_BLK + 16,), jnp.int32),
            pltpu.VMEM((_N_GRAPHS,), jnp.float32),
            pltpu.SemaphoreType.DMA((2, 2)),
        ],
    )
    lin_rep = jnp.reshape(
        jnp.broadcast_to(lin_ref[:, None], (_N_ELEM, 16)), (_N_ELEM * 16,)
    )
    partials = sc(lin_rep, atomic_numbers, batch_ids)
    merged = pl.pallas_call(
        _merge_body,
        out_shape=jax.ShapeDtypeStruct((1, _N_GRAPHS), jnp.float32),
    )(partials)
    return jnp.reshape(merged, (_N_GRAPHS,))

# --- scband reference (transcript-rebuilt; emitter-appended) ---
"""Pipeline reference for scband-linear-reference-15977278341792 (READ-ONLY COPY).

The authoritative reference and input builder live on the scoring server;
editing this copy changes nothing except your own understanding.
"""

import jax, jax.numpy as jnp
import numpy as np

N_ATOMS = 3_200_000
N_GRAPHS = 16384
MAX_ELEM = 118


def setup_inputs(seed: int = 0) -> dict:
    key = jax.random.key(seed)
    k1, k2, k3 = jax.random.split(key, 3)
    atomic_numbers = jax.random.randint(k1, (N_ATOMS,), 0, MAX_ELEM, dtype=jnp.int64 if jax.config.jax_enable_x64 else jnp.int32)
    batch_ids = jnp.sort(jax.random.randint(k2, (N_ATOMS,), 0, N_GRAPHS, dtype=jnp.int64 if jax.config.jax_enable_x64 else jnp.int32))
    lin_ref = jax.random.normal(k3, (MAX_ELEM,), dtype=jnp.float32)
    return {"lin_ref": lin_ref, "atomic_numbers": atomic_numbers, "batch_ids": batch_ids}


def reference(lin_ref, atomic_numbers, batch_ids):
    # offset = zeros(len(batch)).index_add(0, batch.batch, lin_ref[batch.atomic_numbers])
    per_atom_ref = jnp.take(lin_ref, atomic_numbers, axis=0)
    offset = jax.ops.segment_sum(per_atom_ref, batch_ids, num_segments=N_GRAPHS)
    return offset

if __name__ == "__main__":
    import jax
    _d = setup_inputs()
    print(jax.jit(kernel)(*tuple(_d.values())))

</pallas_src>

<mosaic_0001>
#map = affine_map<(d0, d1) -> (0)>
#map1 = affine_map<(d0, d1) -> (0, 0)>
module attributes {stable_mosaic.version = 14 : i64} {
  func.func @_sc_partial_segsum(%arg0: i32, %arg1: i32, %arg2: memref<1888xf32, #tpu.memory_space<hbm>>, %arg3: memref<3200000xi32, #tpu.memory_space<hbm>>, %arg4: memref<3200000xi32, #tpu.memory_space<hbm>>, %arg5: memref<32x16384xf32, #tpu.memory_space<hbm>>, %arg6: memref<1888xf32, #tpu.memory_space<vmem>>, %arg7: memref<10000xi32, #tpu.memory_space<vmem>>, %arg8: memref<10000xi32, #tpu.memory_space<vmem>>, %arg9: memref<10016xi32, #tpu.memory_space<vmem>>, %arg10: memref<10016xi32, #tpu.memory_space<vmem>>, %arg11: memref<16384xf32, #tpu.memory_space<vmem>>, %arg12: memref<2x2x!tpu.dma_semaphore, #tpu.memory_space<semaphore_mem>>) attributes {dimension_semantics = [#tpu.dimension_semantics<core_parallel>, #tpu.dimension_semantics<subcore_parallel>], iteration_bounds = array<i64: 2, 16>, scalar_prefetch = 0 : i64, scratch_operands = 7 : i64, tpu.core_type = #tpu.core_type<sc_vector_subcore>, window_params = [{transform_indices = #map}, {transform_indices = #map}, {transform_indices = #map}, {transform_indices = #map1}]} {
    %mul3A = arith.constant 16 : i32
    %mul3A_0 = arith.muli %arg0, %mul3A : i32
    %add3A = arith.addi %mul3A_0, %arg1 : i32
    %mul3A_1 = arith.constant 100000 : i32
    %mul3A_2 = arith.muli %add3A, %mul3A_1 : i32
    %multiple_of3A = tpu.assume_multiple %mul3A_2, 8 : i32
    %broadcast_in_dim3A = arith.constant 0.000000e+00 : f32
    %broadcast_in_dim3A_3 = vector.broadcast %broadcast_in_dim3A : f32 to vector<16xf32>
    %iota3A = tpu.iota {dimensions = array<i32: 0>} : vector<16xi32>
    %eq3A = arith.constant 15 : i32
    %eq3A_4 = vector.broadcast %eq3A : i32 to vector<16xi32>
    %eq3A_5 = arith.cmpi eq, %iota3A, %eq3A_4 : vector<16xi32>
    %lt3A = arith.constant 15 : i32
    %lt3A_6 = vector.broadcast %lt3A : i32 to vector<16xi32>
    %lt3A_7 = arith.cmpi slt, %iota3A, %lt3A_6 : vector<16xi32>
    %add3A_8 = arith.constant 0 : i32
    %add3A_9 = arith.addi %multiple_of3A, %add3A_8 : i32
    %multiple_of3A_10 = tpu.assume_multiple %add3A_9, 8 : i32
    %dma_start3A = arith.constant 0 : i32
    %dma_start3A_11 = arith.constant 0 : i32
    %dma_start3A_12 = tpu.memref_slice %arg3[%multiple_of3A_10] : memref<3200000xi32, #tpu.memory_space<hbm>> -> memref<10000xi32, #tpu.memory_space<hbm>>
    %dma_start3A_13 = tpu.memref_slice %arg12[%dma_start3A, %dma_start3A_11] : memref<2x2x!tpu.dma_semaphore, #tpu.memory_space<semaphore_mem>> -> memref<1x1x!tpu.dma_semaphore, #tpu.memory_space<semaphore_mem>>
    %dma_start3A_14 = tpu.memref_squeeze %dma_start3A_13 : memref<1x1x!tpu.dma_semaphore, #tpu.memory_space<semaphore_mem>> -> memref<!tpu.dma_semaphore, #tpu.memory_space<semaphore_mem>>
    %dma_start3A_15 = tpu.memref_slice %arg3[%multiple_of3A_10] : memref<3200000xi32, #tpu.memory_space<hbm>> -> memref<10000xi32, #tpu.memory_space<hbm>>
    tpu.enqueue_dma source(%dma_start3A_15 : memref<10000xi32, #tpu.memory_space<hbm>>) target(%arg7 : memref<10000xi32, #tpu.memory_space<vmem>>) target_semaphore(%dma_start3A_14 : memref<!tpu.dma_semaphore, #tpu.memory_space<semaphore_mem>>)
    %dma_start3A_16 = arith.constant 0 : i32
    %dma_start3A_17 = arith.constant 1 : i32
    %dma_start3A_18 = arith.constant 0 : i32
    %dma_start3A_19 = tpu.memref_slice %arg9[%dma_start3A_18] : memref<10016xi32, #tpu.memory_space<vmem>> -> memref<10000xi32, #tpu.memory_space<vmem>>
    %dma_start3A_20 = tpu.memref_slice %arg4[%multiple_of3A_10] : memref<3200000xi32, #tpu.memory_space<hbm>> -> memref<10000xi32, #tpu.memory_space<hbm>>
    %dma_start3A_21 = tpu.memref_slice %arg12[%dma_start3A_16, %dma_start3A_17] : memref<2x2x!tpu.dma_semaphore, #tpu.memory_space<semaphore_mem>> -> memref<1x1x!tpu.dma_semaphore, #tpu.memory_space<semaphore_mem>>
    %dma_start3A_22 = tpu.memref_squeeze %dma_start3A_21 : memref<1x1x!tpu.dma_semaphore, #tpu.memory_space<semaphore_mem>> -> memref<!tpu.dma_semaphore, #tpu.memory_space<semaphore_mem>>
    %dma_start3A_23 = arith.constant 0 : i32
    %dma_start3A_24 = tpu.memref_slice %arg9[%dma_start3A_23] : memref<10016xi32, #tpu.memory_space<vmem>> -> memref<10000xi32, #tpu.memory_space<vmem>>
    %dma_start3A_25 = tpu.memref_slice %arg4[%multiple_of3A_10] : memref<3200000xi32, #tpu.memory_space<hbm>> -> memref<10000xi32, #tpu.memory_space<hbm>>
    tpu.enqueue_dma source(%dma_start3A_25 : memref<10000xi32, #tpu.memory_space<hbm>>) target(%dma_start3A_24 : memref<10000xi32, #tpu.memory_space<vmem>>) target_semaphore(%dma_start3A_22 : memref<!tpu.dma_semaphore, #tpu.memory_space<semaphore_mem>>)
    %add3A_26 = arith.constant 10000 : i32
    %add3A_27 = arith.addi %multiple_of3A, %add3A_26 : i32
    %multiple_of3A_28 = tpu.assume_multiple %add3A_27, 8 : i32
    %dma_start3A_29 = arith.constant 1 : i32
    %dma_start3A_30 = arith.constant 0 : i32
    %dma_start3A_31 = tpu.memref_slice %arg3[%multiple_of3A_28] : memref<3200000xi32, #tpu.memory_space<hbm>> -> memref<10000xi32, #tpu.memory_space<hbm>>
    %dma_start3A_32 = tpu.memref_slice %arg12[%dma_start3A_29, %dma_start3A_30] : memref<2x2x!tpu.dma_semaphore, #tpu.memory_space<semaphore_mem>> -> memref<1x1x!tpu.dma_semaphore, #tpu.memory_space<semaphore_mem>>
    %dma_start3A_33 = tpu.memref_squeeze %dma_start3A_32 : memref<1x1x!tpu.dma_semaphore, #tpu.memory_space<semaphore_mem>> -> memref<!tpu.dma_semaphore, #tpu.memory_space<semaphore_mem>>
    %dma_start3A_34 = tpu.memref_slice %arg3[%multiple_of3A_28] : memref<3200000xi32, #tpu.memory_space<hbm>> -> memref<10000xi32, #tpu.memory_space<hbm>>
    tpu.enqueue_dma source(%dma_start3A_34 : memref<10000xi32, #tpu.memory_space<hbm>>) target(%arg8 : memref<10000xi32, #tpu.memory_space<vmem>>) target_semaphore(%dma_start3A_33 : memref<!tpu.dma_semaphore, #tpu.memory_space<semaphore_mem>>)
    %dma_start3A_35 = arith.constant 1 : i32
    %dma_start3A_36 = arith.constant 1 : i32
    %dma_start3A_37 = arith.constant 0 : i32
    %dma_start3A_38 = tpu.memref_slice %arg10[%dma_start3A_37] : memref<10016xi32, #tpu.memory_space<vmem>> -> memref<10000xi32, #tpu.memory_space<vmem>>
    %dma_start3A_39 = tpu.memref_slice %arg4[%multiple_of3A_28] : memref<3200000xi32, #tpu.memory_space<hbm>> -> memref<10000xi32, #tpu.memory_space<hbm>>
    %dma_start3A_40 = tpu.memref_slice %arg12[%dma_start3A_35, %dma_start3A_36] : memref<2x2x!tpu.dma_semaphore, #tpu.memory_space<semaphore_mem>> -> memref<1x1x!tpu.dma_semaphore, #tpu.memory_space<semaphore_mem>>
    %dma_start3A_41 = tpu.memref_squeeze %dma_start3A_40 : memref<1x1x!tpu.dma_semaphore, #tpu.memory_space<semaphore_mem>> -> memref<!tpu.dma_semaphore, #tpu.memory_space<semaphore_mem>>
    %dma_start3A_42 = arith.constant 0 : i32
    %dma_start3A_43 = tpu.memref_slice %arg10[%dma_start3A_42] : memref<10016xi32, #tpu.memory_space<vmem>> -> memref<10000xi32, #tpu.memory_space<vmem>>
    %dma_start3A_44 = tpu.memref_slice %arg4[%multiple_of3A_28] : memref<3200000xi32, #tpu.memory_space<hbm>> -> memref<10000xi32, #tpu.memory_space<hbm>>
    tpu.enqueue_dma source(%dma_start3A_44 : memref<10000xi32, #tpu.memory_space<hbm>>) target(%dma_start3A_43 : memref<10000xi32, #tpu.memory_space<vmem>>) target_semaphore(%dma_start3A_41 : memref<!tpu.dma_semaphore, #tpu.memory_space<semaphore_mem>>)
    "tpu.region"() ({
      %run_scoped3A = tpu.sem_alloc : memref<!tpu.dma_semaphore, #tpu.memory_space<semaphore_mem>>
      tpu.enqueue_dma source(%arg2 : memref<1888xf32, #tpu.memory_space<hbm>>) target(%arg6 : memref<1888xf32, #tpu.memory_space<vmem>>) target_semaphore(%run_scoped3A : memref<!tpu.dma_semaphore, #tpu.memory_space<semaphore_mem>>)
      tpu.wait_dma2 semaphore(%run_scoped3A : memref<!tpu.dma_semaphore, #tpu.memory_space<semaphore_mem>>) src(%arg2 : memref<1888xf32, #tpu.memory_space<hbm>>) dst(%arg6 : memref<1888xf32, #tpu.memory_space<vmem>>)
      tpu.yield
    }) : () -> ()
    %parallel_loop3A = arith.constant 0 : i32
    %parallel_loop3A_45 = arith.constant 1024 : i32
    %parallel_loop3A_46 = arith.constant 1 : i32
    scf.for %parallel_loop3A_53 = %parallel_loop3A to %parallel_loop3A_45 step %parallel_loop3A_46  : i32 {
      %parallel_loop3A_54 = arith.constant 16 : i32
      %parallel_loop3A_55 = arith.muli %parallel_loop3A_53, %parallel_loop3A_54 : i32
      %parallel_loop3A_56 = arith.index_cast %parallel_loop3A_55 : i32 to index
      %parallel_loop3A_57 = tpu.vector_load %arg11[%parallel_loop3A_56] {strides = array<i32>} : memref<16384xf32, #tpu.memory_space<vmem>>, vector<16xf32>,
      tpu.vector_store %arg11[%parallel_loop3A_56], %broadcast_in_dim3A_3 {strides = array<i32>} : memref<16384xf32, #tpu.memory_space<vmem>>, vector<16xf32>,
    } {sc.loop_unroll_factor = 8 : i64, sc.parallel_access}
    %scan3A = arith.constant 0 : i32
    %scan3A_47 = arith.constant 0 : i32
    %scan3A_48 = arith.constant 5 : i32
    %scan3A_49 = arith.addi %scan3A_47, %scan3A_48 : i32
    %scan3A_50 = arith.constant 1 : i32
    %scan3A_51 = scf.for %scan3A_53 = %scan3A_47 to %scan3A_49 step %scan3A_50 iter_args(%scan3A_54 = %scan3A) -> (i32)  : i32 {
      %mul3A_55 = arith.constant 2 : i32
      %mul3A_56 = arith.muli %mul3A_55, %scan3A_53 : i32
      %mul3A_57 = arith.constant 10000 : i32
      %mul3A_58 = arith.muli %mul3A_56, %mul3A_57 : i32
      %add3A_59 = arith.addi %multiple_of3A, %mul3A_58 : i32
      %multiple_of3A_60 = tpu.assume_multiple %add3A_59, 8 : i32
      %dma_wait3A = arith.constant 0 : i32
      %dma_wait3A_61 = arith.constant 0 : i32
      %dma_wait3A_62 = tpu.memref_slice %arg3[%multiple_of3A_60] : memref<3200000xi32, #tpu.memory_space<hbm>> -> memref<10000xi32, #tpu.memory_space<hbm>>
      %dma_wait3A_63 = tpu.memref_slice %arg12[%dma_wait3A, %dma_wait3A_61] : memref<2x2x!tpu.dma_semaphore, #tpu.memory_space<semaphore_mem>> -> memref<1x1x!tpu.dma_semaphore, #tpu.memory_space<semaphore_mem>>
      %dma_wait3A_64 = tpu.memref_squeeze %dma_wait3A_63 : memref<1x1x!tpu.dma_semaphore, #tpu.memory_space<semaphore_mem>> -> memref<!tpu.dma_semaphore, #tpu.memory_space<semaphore_mem>>
      %dma_wait3A_65 = tpu.memref_slice %arg3[%multiple_of3A_60] : memref<3200000xi32, #tpu.memory_space<hbm>> -> memref<10000xi32, #tpu.memory_space<hbm>>
      tpu.wait_dma2 semaphore(%dma_wait3A_64 : memref<!tpu.dma_semaphore, #tpu.memory_space<semaphore_mem>>) src(%dma_wait3A_65 : memref<10000xi32, #tpu.memory_space<hbm>>) dst(%arg7 : memref<10000xi32, #tpu.memory_space<vmem>>)
      %dma_wait3A_66 = arith.constant 0 : i32
      %dma_wait3A_67 = arith.constant 1 : i32
      %dma_wait3A_68 = arith.constant 0 : i32
      %dma_wait3A_69 = tpu.memref_slice %arg9[%dma_wait3A_68] : memref<10016xi32, #tpu.memory_space<vmem>> -> memref<10000xi32, #tpu.memory_space<vmem>>
      %dma_wait3A_70 = tpu.memref_slice %arg4[%multiple_of3A_60] : memref<3200000xi32, #tpu.memory_space<hbm>> -> memref<10000xi32, #tpu.memory_space<hbm>>
      %dma_wait3A_71 = tpu.memref_slice %arg12[%dma_wait3A_66, %dma_wait3A_67] : memref<2x2x!tpu.dma_semaphore, #tpu.memory_space<semaphore_mem>> -> memref<1x1x!tpu.dma_semaphore, #tpu.memory_space<semaphore_mem>>
      %dma_wait3A_72 = tpu.memref_squeeze %dma_wait3A_71 : memref<1x1x!tpu.dma_semaphore, #tpu.memory_space<semaphore_mem>> -> memref<!tpu.dma_semaphore, #tpu.memory_space<semaphore_mem>>
      %dma_wait3A_73 = arith.constant 0 : i32
      %dma_wait3A_74 = tpu.memref_slice %arg9[%dma_wait3A_73] : memref<10016xi32, #tpu.memory_space<vmem>> -> memref<10000xi32, #tpu.memory_space<vmem>>
      %dma_wait3A_75 = tpu.memref_slice %arg4[%multiple_of3A_60] : memref<3200000xi32, #tpu.memory_space<hbm>> -> memref<10000xi32, #tpu.memory_space<hbm>>
      tpu.wait_dma2 semaphore(%dma_wait3A_72 : memref<!tpu.dma_semaphore, #tpu.memory_space<semaphore_mem>>) src(%dma_wait3A_75 : memref<10000xi32, #tpu.memory_space<hbm>>) dst(%dma_wait3A_74 : memref<10000xi32, #tpu.memory_space<vmem>>)
      %parallel_loop3A_76 = arith.constant 0 : i32
      %parallel_loop3A_77 = arith.constant 625 : i32
      %parallel_loop3A_78 = arith.constant 1 : i32
      scf.for %parallel_loop3A_117 = %parallel_loop3A_76 to %parallel_loop3A_77 step %parallel_loop3A_78  : i32 {
        %parallel_loop3A_118 = arith.constant 16 : i32
        %parallel_loop3A_119 = arith.muli %parallel_loop3A_117, %parallel_loop3A_118 : i32
        %parallel_loop3A_120 = arith.index_cast %parallel_loop3A_119 : i32 to index
        %parallel_loop3A_121 = tpu.vector_load %arg7[%parallel_loop3A_120] {strides = array<i32>} : memref<10000xi32, #tpu.memory_space<vmem>>, vector<16xi32>,
        %parallel_loop3A_122 = arith.index_cast %parallel_loop3A_119 : i32 to index
        %parallel_loop3A_123 = tpu.vector_load %arg9[%parallel_loop3A_122] {strides = array<i32>} : memref<10016xi32, #tpu.memory_space<vmem>>, vector<16xi32>,
        %parallel_loop3A_124 = arith.constant 1 : i32
        %parallel_loop3A_125 = arith.addi %parallel_loop3A_119, %parallel_loop3A_124 : i32
        %parallel_loop3A_126 = arith.index_cast %parallel_loop3A_125 : i32 to index
        %parallel_loop3A_127 = tpu.vector_load %arg9[%parallel_loop3A_126] {strides = array<i32>} : memref<10016xi32, #tpu.memory_space<vmem>>, vector<16xi32>,
        %parallel_loop3A_128 = arith.constant 16 : i32
        %parallel_loop3A_129 = vector.broadcast %parallel_loop3A_128 : i32 to vector<16xi32>
        %parallel_loop3A_130 = arith.muli %parallel_loop3A_121, %parallel_loop3A_129 : vector<16xi32>
        %parallel_loop3A_131 = arith.addi %parallel_loop3A_130, %iota3A : vector<16xi32>
        %parallel_loop3A_132 = tpu.vector_load_idx %arg6[%parallel_loop3A_131] : memref<1888xf32, #tpu.memory_space<vmem>>[vector<16xi32>], vector<16xf32>,
        %parallel_loop3A_133 = arith.constant true
        %parallel_loop3A_134 = vector.broadcast %parallel_loop3A_133 : i1 to vector<16xi1>
        %parallel_loop3A_135 = tpu.scan <sum>, %parallel_loop3A_132 masked %parallel_loop3A_134 : vector<16xf32>, vector<16xi1> -> vector<16xf32>
        %parallel_loop3A_136 = arith.cmpi ne, %parallel_loop3A_123, %parallel_loop3A_127 : vector<16xi32>
        %parallel_loop3A_137 = arith.andi %parallel_loop3A_136, %lt3A_7 : vector<16xi1>
        %parallel_loop3A_138 = arith.ori %parallel_loop3A_137, %eq3A_5 : vector<16xi1>
        tpu.vector_store_idx %arg11[%parallel_loop3A_123], %parallel_loop3A_135 masked %parallel_loop3A_138 {add = true} : memref<16384xf32, #tpu.memory_space<vmem>>[vector<16xi32>], vector<16xf32>, vector<16xi1>
        %parallel_loop3A_139 = arith.constant 0.000000e+00 : f32
        %parallel_loop3A_140 = vector.broadcast %parallel_loop3A_139 : f32 to vector<16xf32>
        %parallel_loop3A_141 = arith.subf %parallel_loop3A_140, %parallel_loop3A_135 : vector<16xf32>
        tpu.vector_store_idx %arg11[%parallel_loop3A_127], %parallel_loop3A_141 masked %parallel_loop3A_137 {add = true} : memref<16384xf32, #tpu.memory_space<vmem>>[vector<16xi32>], vector<16xf32>, vector<16xi1>
      } {sc.loop_unroll_factor = 2 : i64, sc.parallel_access}
      %add3A_79 = arith.constant 2 : i32
      %add3A_80 = arith.addi %mul3A_56, %add3A_79 : i32
      %lt3A_81 = arith.constant 10 : i32
      %lt3A_82 = arith.cmpi slt, %add3A_80, %lt3A_81 : i32
      %convert_element_type3A = arith.extui %lt3A_82 : i1 to i32
      %cond3A = arith.constant 0 : i32
      %cond3A_83 = arith.cmpi ne, %convert_element_type3A, %cond3A : i32
      scf.if %cond3A_83 {
        %add3A_117 = arith.constant 2 : i32
        %add3A_118 = arith.addi %mul3A_56, %add3A_117 : i32
        %mul3A_119 = arith.constant 10000 : i32
        %mul3A_120 = arith.muli %add3A_118, %mul3A_119 : i32
        %add3A_121 = arith.addi %multiple_of3A, %mul3A_120 : i32
        %multiple_of3A_122 = tpu.assume_multiple %add3A_121, 8 : i32
        %dma_start3A_123 = arith.constant 0 : i32
        %dma_start3A_124 = arith.constant 0 : i32
        %dma_start3A_125 = tpu.memref_slice %arg3[%multiple_of3A_122] : memref<3200000xi32, #tpu.memory_space<hbm>> -> memref<10000xi32, #tpu.memory_space<hbm>>
        %dma_start3A_126 = tpu.memref_slice %arg12[%dma_start3A_123, %dma_start3A_124] : memref<2x2x!tpu.dma_semaphore, #tpu.memory_space<semaphore_mem>> -> memref<1x1x!tpu.dma_semaphore, #tpu.memory_space<semaphore_mem>>
        %dma_start3A_127 = tpu.memref_squeeze %dma_start3A_126 : memref<1x1x!tpu.dma_semaphore, #tpu.memory_space<semaphore_mem>> -> memref<!tpu.dma_semaphore, #tpu.memory_space<semaphore_mem>>
        %dma_start3A_128 = tpu.memref_slice %arg3[%multiple_of3A_122] : memref<3200000xi32, #tpu.memory_space<hbm>> -> memref<10000xi32, #tpu.memory_space<hbm>>
        tpu.enqueue_dma source(%dma_start3A_128 : memref<10000xi32, #tpu.memory_space<hbm>>) target(%arg7 : memref<10000xi32, #tpu.memory_space<vmem>>) target_semaphore(%dma_start3A_127 : memref<!tpu.dma_semaphore, #tpu.memory_space<semaphore_mem>>)
        %dma_start3A_129 = arith.constant 0 : i32
        %dma_start3A_130 = arith.constant 1 : i32
        %dma_start3A_131 = arith.constant 0 : i32
        %dma_start3A_132 = tpu.memref_slice %arg9[%dma_start3A_131] : memref<10016xi32, #tpu.memory_space<vmem>> -> memref<10000xi32, #tpu.memory_space<vmem>>
        %dma_start3A_133 = tpu.memref_slice %arg4[%multiple_of3A_122] : memref<3200000xi32, #tpu.memory_space<hbm>> -> memref<10000xi32, #tpu.memory_space<hbm>>
        %dma_start3A_134 = tpu.memref_slice %arg12[%dma_start3A_129, %dma_start3A_130] : memref<2x2x!tpu.dma_semaphore, #tpu.memory_space<semaphore_mem>> -> memref<1x1x!tpu.dma_semaphore, #tpu.memory_space<semaphore_mem>>
        %dma_start3A_135 = tpu.memref_squeeze %dma_start3A_134 : memref<1x1x!tpu.dma_semaphore, #tpu.memory_space<semaphore_mem>> -> memref<!tpu.dma_semaphore, #tpu.memory_space<semaphore_mem>>
        %dma_start3A_136 = arith.constant 0 : i32
        %dma_start3A_137 = tpu.memref_slice %arg9[%dma_start3A_136] : memref<10016xi32, #tpu.memory_space<vmem>> -> memref<10000xi32, #tpu.memory_space<vmem>>
        %dma_start3A_138 = tpu.memref_slice %arg4[%multiple_of3A_122] : memref<3200000xi32, #tpu.memory_space<hbm>> -> memref<10000xi32, #tpu.memory_space<hbm>>
        tpu.enqueue_dma source(%dma_start3A_138 : memref<10000xi32, #tpu.memory_space<hbm>>) target(%dma_start3A_137 : memref<10000xi32, #tpu.memory_space<vmem>>) target_semaphore(%dma_start3A_135 : memref<!tpu.dma_semaphore, #tpu.memory_space<semaphore_mem>>)
      } else {
      }
      %add3A_84 = arith.constant 1 : i32
      %add3A_85 = arith.addi %mul3A_56, %add3A_84 : i32
      %mul3A_86 = arith.constant 10000 : i32
      %mul3A_87 = arith.muli %add3A_85, %mul3A_86 : i32
      %add3A_88 = arith.addi %multiple_of3A, %mul3A_87 : i32
      %multiple_of3A_89 = tpu.assume_multiple %add3A_88, 8 : i32
      %dma_wait3A_90 = arith.constant 1 : i32
      %dma_wait3A_91 = arith.constant 0 : i32
      %dma_wait3A_92 = tpu.memref_slice %arg3[%multiple_of3A_89] : memref<3200000xi32, #tpu.memory_space<hbm>> -> memref<10000xi32, #tpu.memory_space<hbm>>
      %dma_wait3A_93 = tpu.memref_slice %arg12[%dma_wait3A_90, %dma_wait3A_91] : memref<2x2x!tpu.dma_semaphore, #tpu.memory_space<semaphore_mem>> -> memref<1x1x!tpu.dma_semaphore, #tpu.memory_space<semaphore_mem>>
      %dma_wait3A_94 = tpu.memref_squeeze %dma_wait3A_93 : memref<1x1x!tpu.dma_semaphore, #tpu.memory_space<semaphore_mem>> -> memref<!tpu.dma_semaphore, #tpu.memory_space<semaphore_mem>>
      %dma_wait3A_95 = tpu.memref_slice %arg3[%multiple_of3A_89] : memref<3200000xi32, #tpu.memory_space<hbm>> -> memref<10000xi32, #tpu.memory_space<hbm>>
      tpu.wait_dma2 semaphore(%dma_wait3A_94 : memref<!tpu.dma_semaphore, #tpu.memory_space<semaphore_mem>>) src(%dma_wait3A_95 : memref<10000xi32, #tpu.memory_space<hbm>>) dst(%arg8 : memref<10000xi32, #tpu.memory_space<vmem>>)
      %dma_wait3A_96 = arith.constant 1 : i32
      %dma_wait3A_97 = arith.constant 1 : i32
      %dma_wait3A_98 = arith.constant 0 : i32
      %dma_wait3A_99 = tpu.memref_slice %arg10[%dma_wait3A_98] : memref<10016xi32, #tpu.memory_space<vmem>> -> memref<10000xi32, #tpu.memory_space<vmem>>
      %dma_wait3A_100 = tpu.memref_slice %arg4[%multiple_of3A_89] : memref<3200000xi32, #tpu.memory_space<hbm>> -> memref<10000xi32, #tpu.memory_space<hbm>>
      %dma_wait3A_101 = tpu.memref_slice %arg12[%dma_wait3A_96, %dma_wait3A_97] : memref<2x2x!tpu.dma_semaphore, #tpu.memory_space<semaphore_mem>> -> memref<1x1x!tpu.dma_semaphore, #tpu.memory_space<semaphore_mem>>
      %dma_wait3A_102 = tpu.memref_squeeze %dma_wait3A_101 : memref<1x1x!tpu.dma_semaphore, #tpu.memory_space<semaphore_mem>> -> memref<!tpu.dma_semaphore, #tpu.memory_space<semaphore_mem>>
      %dma_wait3A_103 = arith.constant 0 : i32
      %dma_wait3A_104 = tpu.memref_slice %arg10[%dma_wait3A_103] : memref<10016xi32, #tpu.memory_space<vmem>> -> memref<10000xi32, #tpu.memory_space<vmem>>
      %dma_wait3A_105 = tpu.memref_slice %arg4[%multiple_of3A_89] : memref<3200000xi32, #tpu.memory_space<hbm>> -> memref<10000xi32, #tpu.memory_space<hbm>>
      tpu.wait_dma2 semaphore(%dma_wait3A_102 : memref<!tpu.dma_semaphore, #tpu.memory_space<semaphore_mem>>) src(%dma_wait3A_105 : memref<10000xi32, #tpu.memory_space<hbm>>) dst(%dma_wait3A_104 : memref<10000xi32, #tpu.memory_space<vmem>>)
      %parallel_loop3A_106 = arith.constant 0 : i32
      %parallel_loop3A_107 = arith.constant 625 : i32
      %parallel_loop3A_108 = arith.constant 1 : i32
      scf.for %parallel_loop3A_117 = %parallel_loop3A_106 to %parallel_loop3A_107 step %parallel_loop3A_108  : i32 {
        %parallel_loop3A_118 = arith.constant 16 : i32
        %parallel_loop3A_119 = arith.muli %parallel_loop3A_117, %parallel_loop3A_118 : i32
        %parallel_loop3A_120 = arith.index_cast %parallel_loop3A_119 : i32 to index
        %parallel_loop3A_121 = tpu.vector_load %arg8[%parallel_loop3A_120] {strides = array<i32>} : memref<10000xi32, #tpu.memory_space<vmem>>, vector<16xi32>,
        %parallel_loop3A_122 = arith.index_cast %parallel_loop3A_119 : i32 to index
        %parallel_loop3A_123 = tpu.vector_load %arg10[%parallel_loop3A_122] {strides = array<i32>} : memref<10016xi32, #tpu.memory_space<vmem>>, vector<16xi32>,
        %parallel_loop3A_124 = arith.constant 1 : i32
        %parallel_loop3A_125 = arith.addi %parallel_loop3A_119, %parallel_loop3A_124 : i32
        %parallel_loop3A_126 = arith.index_cast %parallel_loop3A_125 : i32 to index
        %parallel_loop3A_127 = tpu.vector_load %arg10[%parallel_loop3A_126] {strides = array<i32>} : memref<10016xi32, #tpu.memory_space<vmem>>, vector<16xi32>,
        %parallel_loop3A_128 = arith.constant 16 : i32
        %parallel_loop3A_129 = vector.broadcast %parallel_loop3A_128 : i32 to vector<16xi32>
        %parallel_loop3A_130 = arith.muli %parallel_loop3A_121, %parallel_loop3A_129 : vector<16xi32>
        %parallel_loop3A_131 = arith.addi %parallel_loop3A_130, %iota3A : vector<16xi32>
        %parallel_loop3A_132 = tpu.vector_load_idx %arg6[%parallel_loop3A_131] : memref<1888xf32, #tpu.memory_space<vmem>>[vector<16xi32>], vector<16xf32>,
        %parallel_loop3A_133 = arith.constant true
        %parallel_loop3A_134 = vector.broadcast %parallel_loop3A_133 : i1 to vector<16xi1>
        %parallel_loop3A_135 = tpu.scan <sum>, %parallel_loop3A_132 masked %parallel_loop3A_134 : vector<16xf32>, vector<16xi1> -> vector<16xf32>
        %parallel_loop3A_136 = arith.cmpi ne, %parallel_loop3A_123, %parallel_loop3A_127 : vector<16xi32>
        %parallel_loop3A_137 = arith.andi %parallel_loop3A_136, %lt3A_7 : vector<16xi1>
        %parallel_loop3A_138 = arith.ori %parallel_loop3A_137, %eq3A_5 : vector<16xi1>
        tpu.vector_store_idx %arg11[%parallel_loop3A_123], %parallel_loop3A_135 masked %parallel_loop3A_138 {add = true} : memref<16384xf32, #tpu.memory_space<vmem>>[vector<16xi32>], vector<16xf32>, vector<16xi1>
        %parallel_loop3A_139 = arith.constant 0.000000e+00 : f32
        %parallel_loop3A_140 = vector.broadcast %parallel_loop3A_139 : f32 to vector<16xf32>
        %parallel_loop3A_141 = arith.subf %parallel_loop3A_140, %parallel_loop3A_135 : vector<16xf32>
        tpu.vector_store_idx %arg11[%parallel_loop3A_127], %parallel_loop3A_141 masked %parallel_loop3A_137 {add = true} : memref<16384xf32, #tpu.memory_space<vmem>>[vector<16xi32>], vector<16xf32>, vector<16xi1>
      } {sc.loop_unroll_factor = 2 : i64, sc.parallel_access}
      %add3A_109 = arith.constant 3 : i32
      %add3A_110 = arith.addi %mul3A_56, %add3A_109 : i32
      %lt3A_111 = arith.constant 10 : i32
      %lt3A_112 = arith.cmpi slt, %add3A_110, %lt3A_111 : i32
      %convert_element_type3A_113 = arith.extui %lt3A_112 : i1 to i32
      %cond3A_114 = arith.constant 0 : i32
      %cond3A_115 = arith.cmpi ne, %convert_element_type3A_113, %cond3A_114 : i32
      scf.if %cond3A_115 {
        %add3A_117 = arith.constant 3 : i32
        %add3A_118 = arith.addi %mul3A_56, %add3A_117 : i32
        %mul3A_119 = arith.constant 10000 : i32
        %mul3A_120 = arith.muli %add3A_118, %mul3A_119 : i32
        %add3A_121 = arith.addi %multiple_of3A, %mul3A_120 : i32
        %multiple_of3A_122 = tpu.assume_multiple %add3A_121, 8 : i32
        %dma_start3A_123 = arith.constant 1 : i32
        %dma_start3A_124 = arith.constant 0 : i32
        %dma_start3A_125 = tpu.memref_slice %arg3[%multiple_of3A_122] : memref<3200000xi32, #tpu.memory_space<hbm>> -> memref<10000xi32, #tpu.memory_space<hbm>>
        %dma_start3A_126 = tpu.memref_slice %arg12[%dma_start3A_123, %dma_start3A_124] : memref<2x2x!tpu.dma_semaphore, #tpu.memory_space<semaphore_mem>> -> memref<1x1x!tpu.dma_semaphore, #tpu.memory_space<semaphore_mem>>
        %dma_start3A_127 = tpu.memref_squeeze %dma_start3A_126 : memref<1x1x!tpu.dma_semaphore, #tpu.memory_space<semaphore_mem>> -> memref<!tpu.dma_semaphore, #tpu.memory_space<semaphore_mem>>
        %dma_start3A_128 = tpu.memref_slice %arg3[%multiple_of3A_122] : memref<3200000xi32, #tpu.memory_space<hbm>> -> memref<10000xi32, #tpu.memory_space<hbm>>
        tpu.enqueue_dma source(%dma_start3A_128 : memref<10000xi32, #tpu.memory_space<hbm>>) target(%arg8 : memref<10000xi32, #tpu.memory_space<vmem>>) target_semaphore(%dma_start3A_127 : memref<!tpu.dma_semaphore, #tpu.memory_space<semaphore_mem>>)
        %dma_start3A_129 = arith.constant 1 : i32
        %dma_start3A_130 = arith.constant 1 : i32
        %dma_start3A_131 = arith.constant 0 : i32
        %dma_start3A_132 = tpu.memref_slice %arg10[%dma_start3A_131] : memref<10016xi32, #tpu.memory_space<vmem>> -> memref<10000xi32, #tpu.memory_space<vmem>>
        %dma_start3A_133 = tpu.memref_slice %arg4[%multiple_of3A_122] : memref<3200000xi32, #tpu.memory_space<hbm>> -> memref<10000xi32, #tpu.memory_space<hbm>>
        %dma_start3A_134 = tpu.memref_slice %arg12[%dma_start3A_129, %dma_start3A_130] : memref<2x2x!tpu.dma_semaphore, #tpu.memory_space<semaphore_mem>> -> memref<1x1x!tpu.dma_semaphore, #tpu.memory_space<semaphore_mem>>
        %dma_start3A_135 = tpu.memref_squeeze %dma_start3A_134 : memref<1x1x!tpu.dma_semaphore, #tpu.memory_space<semaphore_mem>> -> memref<!tpu.dma_semaphore, #tpu.memory_space<semaphore_mem>>
        %dma_start3A_136 = arith.constant 0 : i32
        %dma_start3A_137 = tpu.memref_slice %arg10[%dma_start3A_136] : memref<10016xi32, #tpu.memory_space<vmem>> -> memref<10000xi32, #tpu.memory_space<vmem>>
        %dma_start3A_138 = tpu.memref_slice %arg4[%multiple_of3A_122] : memref<3200000xi32, #tpu.memory_space<hbm>> -> memref<10000xi32, #tpu.memory_space<hbm>>
        tpu.enqueue_dma source(%dma_start3A_138 : memref<10000xi32, #tpu.memory_space<hbm>>) target(%dma_start3A_137 : memref<10000xi32, #tpu.memory_space<vmem>>) target_semaphore(%dma_start3A_135 : memref<!tpu.dma_semaphore, #tpu.memory_space<semaphore_mem>>)
      } else {
      }
      %scan3A_116 = arith.constant 0 : i32
      scf.yield %scan3A_116 : i32
    }
    %scan3A_52 = arith.constant 5 : i32
    "tpu.region"() ({
      %run_scoped3A = tpu.sem_alloc : memref<!tpu.dma_semaphore, #tpu.memory_space<semaphore_mem>>
      %dma_start3A_53 = arith.constant 0 : i32
      %dma_start3A_54 = tpu.memref_slice %arg5[%add3A, %dma_start3A_53] : memref<32x16384xf32, #tpu.memory_space<hbm>> -> memref<1x16384xf32, #tpu.memory_space<hbm>>
      %dma_start3A_55 = tpu.memref_squeeze %dma_start3A_54 : memref<1x16384xf32, #tpu.memory_space<hbm>> -> memref<16384xf32, #tpu.memory_space<hbm>>
      %dma_start3A_56 = arith.constant 0 : i32
      %dma_start3A_57 = tpu.memref_slice %arg5[%add3A, %dma_start3A_56] : memref<32x16384xf32, #tpu.memory_space<hbm>> -> memref<1x16384xf32, #tpu.memory_space<hbm>>
      %dma_start3A_58 = tpu.memref_squeeze %dma_start3A_57 : memref<1x16384xf32, #tpu.memory_space<hbm>> -> memref<16384xf32, #tpu.memory_space<hbm>>
      tpu.enqueue_dma source(%arg11 : memref<16384xf32, #tpu.memory_space<vmem>>) target(%dma_start3A_58 : memref<16384xf32, #tpu.memory_space<hbm>>) target_semaphore(%run_scoped3A : memref<!tpu.dma_semaphore, #tpu.memory_space<semaphore_mem>>)
      %dma_wait3A = arith.constant 0 : i32
      %dma_wait3A_59 = tpu.memref_slice %arg5[%add3A, %dma_wait3A] : memref<32x16384xf32, #tpu.memory_space<hbm>> -> memref<1x16384xf32, #tpu.memory_space<hbm>>
      %dma_wait3A_60 = tpu.memref_squeeze %dma_wait3A_59 : memref<1x16384xf32, #tpu.memory_space<hbm>> -> memref<16384xf32, #tpu.memory_space<hbm>>
      %dma_wait3A_61 = arith.constant 0 : i32
      %dma_wait3A_62 = tpu.memref_slice %arg5[%add3A, %dma_wait3A_61] : memref<32x16384xf32, #tpu.memory_space<hbm>> -> memref<1x16384xf32, #tpu.memory_space<hbm>>
      %dma_wait3A_63 = tpu.memref_squeeze %dma_wait3A_62 : memref<1x16384xf32, #tpu.memory_space<hbm>> -> memref<16384xf32, #tpu.memory_space<hbm>>
      tpu.wait_dma2 semaphore(%run_scoped3A : memref<!tpu.dma_semaphore, #tpu.memory_space<semaphore_mem>>) src(%arg11 : memref<16384xf32, #tpu.memory_space<vmem>>) dst(%dma_wait3A_63 : memref<16384xf32, #tpu.memory_space<hbm>>)
      tpu.yield
    }) : () -> ()
    return
  }
}

module attributes {stable_mosaic.version = 14 : i64} {
  func.func @_merge_body(%arg0: memref<32x16384xf32, #tpu.memory_space<vmem>>, %arg1: memref<1x16384xf32, #tpu.memory_space<vmem>>) attributes {dimension_semantics = [], scalar_prefetch = 0 : i64, scratch_operands = 0 : i64, tpu.core_type = #tpu.core_type<tc>} {
    %get3A = arith.constant 0 : index
    %get3A_0 = arith.constant 0 : index
    %get3A_1 = vector.load %arg0[%get3A, %get3A_0] : memref<32x16384xf32, #tpu.memory_space<vmem>>, vector<32x16384xf32>
    %reduce_sum3A = arith.constant dense<0.000000e+00> : vector<16384xf32>
    %reduce_sum3A_2 = vector.multi_reduction <add>, %get3A_1, %reduce_sum3A [0] : vector<32x16384xf32> to vector<16384xf32>
    %broadcast_in_dim3A = vector.shape_cast %reduce_sum3A_2 : vector<16384xf32> to vector<1x16384xf32>
    %swap3A = arith.constant 0 : index
    %swap3A_3 = arith.constant 0 : index
    %swap3A_4 = vector.load %arg1[%swap3A, %swap3A_3] : memref<1x16384xf32, #tpu.memory_space<vmem>>, vector<1x16384xf32>
    tpu.vector_store %arg1[%swap3A, %swap3A_3], %broadcast_in_dim3A {strides = array<i32>} : memref<1x16384xf32, #tpu.memory_space<vmem>>, vector<1x16384xf32>,
    return
  }
}

</mosaic_0001>

<sc_bundles>
// kernel: kernel.4.cloned.1.call-start
scs
__scs_entry_jumppad:
0x0: {  	(pc) =	sbr.rel $0x88, $3  }
0x1: {  	(tag) =	ssettag $0x0;
	lr =	simm.s32 $0x1  }
0x2: {  	[smem:$0x3F9E] =	sst lr;
	_ =	strace $0xD0000000  }
0x3: {  	_ = 	snop  }
0x4: {  	_ = 	snop  }
0x5: {  	_ = 	snop  }
0x6: {  	_ = 	snop  }
0x7: {  	_ = 	snop  }
__scs_overlays_trampoline_lowered:
0x8: {  	[smem:$0x3FAD] =	sst s0  }
0x9: {  	[smem:$0x3FAE] =	sst s1  }
0xa: {  	[smem:$0x3FAF] =	sst s2  }
0xb: {  	[smem:$0x3FB0] =	sst s3  }
0xc: {  	[smem:$0x3FB1] =	sst s4  }
0xd: {  	[smem:$0x3FB2] =	sst s5  }
0xe: {  	[smem:$0x3FB3] =	sst s6  }
0xf: {  	[smem:$0x3FB4] =	sst s7  }
0x10: {  	[smem:$0x3FB5] =	sst s8  }
0x11: {  	[smem:$0x3FB6] =	sst s9;
	s0 =	simm.s32 @!p0 $0x0  }
0x12: {  	s1 =	sld [smem:$0x3F9C];
	s0 =	simm.s32 @p0 $0x1  }
0x13: {  	[smem:$0x3FB7] =	sst s0;
	s0 =	simm.s32 @!p1 $0x0  }
0x14: {  	s2 =	sld [smem:$0x3F9B];
	s0 =	simm.s32 @p1 $0x1  }
0x15: {  	[smem:$0x3FB8] =	sst s0;
	s0 =	simm.s32 @!p2 $0x0  }
0x16: {  	s3 =	sld [smem:$0x3FDB];
	s0 =	simm.s32 @p2 $0x1  }
0x17: {  	s4 =	simm.s32 $0x1BF5;
	[smem:$0x3FBA] =	sst s0  }
0x18: {  	s0 =	sld [smem:$0x3F9D];
	_ =	swait.ge [sflag:s4], $0x0  }
0x19: {  	s7 =	sld [smem:$0x3F9E]  }
0x1a: {  	s8 =	sadd.s32 $0xFFFFE003, lr  }
0x1b: {  	s9 =	sadd.s32 $0xFFFFFEF7, lr;
	s5 =	simm.s32 $0xFFFFFFFF;
	p2 =	slt.u32 s8, $0xFFFFF086  }
0x1c: {  	p1 =	slt.u32 s9, $0xF7A;
	s5 =	simm.s32 @!p2 $0x0  }
0x1d: {  	s5 =	simm.s32 @p1 $0x1;
	p0 =	seq.s32 s7, s2  }
0x1e: {  	s7 =	smul.u32 @!p0 $0xF7A, s2;
	p2 =	seq.s32 @!p0 s5, $0x0  }
0x1f: {  	s9 =	smul.u32 $0xF7A, s1;
	s8 =	simm.s32 @!p0 $0x1BF5;
	p2 =	por !p2, p0  }
0x20: {  	[sflag:s8] =	ssyncset.s32 @!p0 $0xFFFFF086;
	s6 =	sadd.s32 @!p0 s3, s7;
	s7 =	simm.s32 @!p0 $0x108  }
0x21: {  	s3 =	sadd.s32 s3, s9;
	s6 =	sadd.s32 @!p0 $0x88, s6;
	s7 =	simm.s32 @p2 $0x1082  }
0x22: {  	[simem:s7], [sflag:s8] =	dma.local @!p0 [hbm:s6], $0xF7A  }
0x23: {  	s9 =	sor.u32 $0xD0000000, s2;
	s6 =	simm.s32 $0x108;
	_ =	swait.ge @!p0 [sflag:s8], $0x0  }
0x24: {  	s3 =	sadd.s32 $0x88, s3;
	s6 =	simm.s32 @!p1 $0x1082;
	[sflag:s4] =	ssyncset.s32 $0xFFFFF086  }
0x25: {  	[simem:s6], [sflag:s4] =	dma.local [hbm:s3], $0xF7A  }
0x26: {  	[smem:$0x3F9E] =	sst s1;
	(tag) =	ssettag s2;
	_ =	strace s9  }
0x27: {  	s1 =	sld [smem:$0x3FAE]  }
0x28: {  	s2 =	sld [smem:$0x3FAF]  }
0x29: {  	s4 =	sld [smem:$0x3FB1]  }
0x2a: {  	p0 =	seq.s32 s5, $0x0;
	s5 =	sld [smem:$0x3FB2]  }
0x2b: {  	s6 =	sld [smem:$0x3FB3]  }
0x2c: {  	s7 =	sld [smem:$0x3FB4]  }
0x2d: {  	s3 =	simm.s32 $0x108;
	s8 =	sld [smem:$0x3FB5]  }
0x2e: {  	s3 =	simm.s32 @!p0 $0x1082;
	s9 =	sld [smem:$0x3FB6]  }
0x2f: {  	lr =	sadd.s32 s0, s3;
	s0 =	sld [smem:$0x3FAD]  }
0x30: {  	s3 =	sld [smem:$0x3FB0]  }
0x31: {  	[smem:$0x3FB9] =	sst s10  }
0x32: {  	s10 =	sld [smem:$0x3FB7];
	_ =	sdelay $0x3  }
0x33: {  	p0 =	seq.s32 s10, $0x1;
	s10 =	sld [smem:$0x3FB9];
	_ =	sdelay $0x3  }
0x34: {  	[smem:$0x3FB9] =	sst s10  }
0x35: {  	s10 =	sld [smem:$0x3FB8];
	_ =	sdelay $0x3  }
0x36: {  	p1 =	seq.s32 s10, $0x1;
	s10 =	sld [smem:$0x3FB9];
	_ =	sdelay $0x3  }
0x37: {  	[smem:$0x3FB9] =	sst s10  }
0x38: {  	s10 =	sld [smem:$0x3FBA]  }
0x39: {  	_ = 	snop;
	(pc) =	sbr.ind lr, $3  }
0x3a: {  	_ = 	snop  }
0x3b: {  	_ = 	snop  }
0x3c: {  	p2 =	seq.s32 s10, $0x1;
	s10 =	sld [smem:$0x3FB9]  }
0x3d: {  	_ =	shalt  }
0x3e: {  	_ =	shalt  }
0x3f: {  	_ =	shalt  }
0x40: {  	_ =	shalt  }
0x41: {  	_ =	shalt  }
0x42: {  	_ =	shalt  }
0x43: {  	_ =	shalt  }
0x44: {  	_ =	shalt  }
0x45: {  	_ =	shalt  }
0x46: {  	_ =	shalt  }
0x47: {  	_ =	shalt  }
0x48: {  	_ =	shalt  }
0x49: {  	_ =	shalt  }
0x4a: {  	_ =	shalt  }
0x4b: {  	_ =	shalt  }
0x4c: {  	_ =	shalt  }
0x4d: {  	_ =	shalt  }
0x4e: {  	_ =	shalt  }
0x4f: {  	_ =	shalt  }
0x50: {  	_ =	shalt  }
0x51: {  	_ =	shalt  }
0x52: {  	_ =	shalt  }
0x53: {  	_ =	shalt  }
0x54: {  	_ =	shalt  }
0x55: {  	_ =	shalt  }
0x56: {  	_ =	shalt  }
0x57: {  	_ =	shalt  }
0x58: {  	_ =	shalt  }
0x59: {  	_ =	shalt  }
0x5a: {  	_ =	shalt  }
0x5b: {  	_ =	shalt  }
0x5c: {  	_ =	shalt  }
0x5d: {  	_ =	shalt  }
0x5e: {  	_ =	shalt  }
0x5f: {  	_ =	shalt  }
0x60: {  	_ =	shalt  }
0x61: {  	_ =	shalt  }
0x62: {  	_ =	shalt  }
0x63: {  	_ =	shalt  }
0x64: {  	_ =	shalt  }
0x65: {  	_ =	shalt  }
0x66: {  	_ =	shalt  }
0x67: {  	_ =	shalt  }
0x68: {  	_ =	shalt  }
0x69: {  	_ =	shalt  }
0x6a: {  	_ =	shalt  }
0x6b: {  	_ =	shalt  }
0x6c: {  	_ =	shalt  }
0x6d: {  	_ =	shalt  }
0x6e: {  	_ =	shalt  }
0x6f: {  	_ =	shalt  }
0x70: {  	_ =	shalt  }
0x71: {  	_ =	shalt  }
0x72: {  	_ =	shalt  }
0x73: {  	_ =	shalt  }
0x74: {  	_ =	shalt  }
0x75: {  	_ =	shalt  }
0x76: {  	_ =	shalt  }
0x77: {  	_ =	shalt  }
0x78: {  	_ =	shalt  }
0x79: {  	_ =	shalt  }
0x7a: {  	_ =	shalt  }
0x7b: {  	_ =	shalt  }
0x7c: {  	_ =	shalt  }
0x7d: {  	_ =	shalt  }
0x7e: {  	_ =	shalt  }
0x7f: {  	_ =	shalt  }
0x80: {  	_ =	shalt  }
0x81: {  	_ =	shalt  }
0x82: {  	_ =	shalt  }
0x83: {  	_ =	shalt  }
0x84: {  	_ =	shalt  }
0x85: {  	_ =	shalt  }
0x86: {  	_ =	shalt  }
0x87: {  	_ =	shalt  }
.Lfunc_end0:
.L_simem_size_0:
called_computation_lowered:
.L_overlay_start_0:
0x88: {  	s2 =	sld [smem:$0x3FD9]  }
0x89: {  	s3 =	sld [smem:$0x3FFE];
	_ =	sdelay $0x1  }
0x8a: {  	s1 =	srdreg.scid  }
0x8b: {  	s0 =	sand.u32 $0x1, s1  }
0x8c: {  	s17 =	sshll.u32 s0, $0xA;
	s2 =	sadd.s32 s3, s2  }
0x8d: {  	s2 =	sadd.s32 s2, s17  }
0x8e: {  	[smem:$0x3FC5] =	sst s2  }
0x8f: {  	_ = 	snop  }
0x90: {  	s2 =	sld [smem:$0x3FC8]  }
0x91: {  	s18 =	sld [smem:$0x3FC7]  }
0x92: {  	s4 =	sld [smem:$0x3FD0];
	(tm) =	ssettm $0x1  }
0x93: {  	s5 =	sld [smem:$0x3FFB];
	_ =	sdelay $0x3  }
0x94: {  	_ =	strace s5  }
0x95: {  	s5 =	sld [smem:$0x3FFC];
	_ =	sdelay $0x3  }
0x96: {  	_ =	strace s5  }
0x97: {  	s5 =	sld [smem:$0x3FFD];
	_ =	sdelay $0x3  }
0x98: {  	_ =	strace s5  }
0x99: {  	_ =	strace $0x8FFFFFFF  }
0x9a: {  	s19 =	sld [smem:$0x3FDB];
	_ =	sdelay $0x1  }
0x9b: {  	s6 =	simm.s32 $_scs_section_size  }
0x9c: {  	s7 =	simm.s32 $_size__tile_overlayer_lowered;
	s8 =	simm.s32 $_tile_overlayer_lowered  }
0x9d: {  	s22 =	simm.s32 $0x1BFF;
	s21 =	sshll.u32 s8, $0x1;
	s5 =	sadd.s32 s6, s19  }
0x9e: {  	s9 =	simm.s32 $0x0;
	s20 =	sshll.u32 s7, $0x1;
	s7 =	sadd.s32 s21, s5  }
0x9f: {  	[timem:s9], [sflag:s22] =	dma.local [hbm:s7], s20  }
0xa0: {  	_ =	swait.ge [sflag:s22], s20  }
0xa1: {  	s6 =	ssub.s32 $0x0, s20;
	[sflag:s22] =	ssyncset.done $0x0  }
0xa2: {  	[sflag:s22] =	ssyncadd.s32 s6;
	_ =	sdelay $0x1  }
0xa3: {  	s23 =	simm.s32 $0x1B8B  }
0xa4: {  	_ =	swait.ge [sflag:s23], $0x1  }
0xa5: {  	[sflag:s23] =	ssyncset.done $0x0  }
0xa6: {  	s25 =	simm.s32 $0x1B8E;
	s24 =	sld [smem:$0x3FFE];
	[sflag:s23] =	ssyncadd.s32 $0xFFFFFFFF  }
0xa7: {  	s26 =	simm.s32 $execute0_lowered;
	[smem:$0x3FD2] =	sst s25  }
0xa8: {  	s7 =	sshll.u32 s26, $0x1;
	_ =	strace $0x80000046;
	[dreg:$0x1] =	wrdreg $0xFFFFFFFF  }
0xa9: {  	s28 =	simm.s32 $_size_execute0_lowered;
	s5 =	sadd.s32 s5, s7;
	[dreg:$0x0] =	wrdreg $0x0  }
0xaa: {  	s7 =	sshll.u32 s28, $0x1;
	[dreg:$0x2] =	wrdreg s5  }
0xab: {  	[dreg:$0x3] =	wrdreg s7  }
0xac: {  	[dreg:$0x4] =	wrdreg $0xC0  }
0xad: {  	_ =	task [dreg:s9], $0x5FFFF  }
0xae: {  	[dreg:$0x1] =	wrdreg $0xFFFFFFFF  }
0xaf: {  	[dreg:$0x0] =	wrdreg $0x60  }
0xb0: {  	[dreg:$0x2] =	wrdreg s4  }
0xb1: {  	[dreg:$0x3] =	wrdreg s2  }
0xb2: {  	[dreg:$0x4] =	wrdreg s18  }
0xb3: {  	[dreg:$0x5] =	wrdreg s24  }
0xb4: {  	[dreg:$0x6] =	wrdreg $0x9  }
0xb5: {  	_ =	task.clear_ibuf [dreg:s9], $0x7FFFF;
	_ =	strace $0x90000046  }
0xb6: {  	s29 =	simm.s32 $0x9;
	_ =	strace $0x80000048  }
0xb7: {  	_ =	swait.ge [sflag:s29], $0x1  }
0xb8: {  	[sflag:s29] =	ssyncadd.s32 $0xFFFFFFFF  }
0xb9: {  	_ =	strace $0x90000048  }
0xba: {  	_ =	sfence  }
0xbb: {  	s30 =	sld [smem:$0x0];
	_ =	sdelay $0x2  }
0xbc: {  	s31 =	sshll.u32 s1, $0xD;
	s1 =	sshrl.u32 s1, $0x2  }
0xbd: {  	s3 =	sand.u32 $0x4000, s31;
	s1 =	sadd.s32 s1, s30  }
0xbe: {  	s0 =	sor.u32 s3, s0;
	s1 =	sshll.u32 s1, $0x11  }
0xbf: {  	s0 =	sor.u32 s1, s0  }
0xc0: {  	s0 =	sadd.s32 $0x8F2B, s0  }
0xc1: {  	[sflag:s0] =	ssyncadd.remote.s32 $0x1  }
0xc2: {  	_ =	sfence.sel $0xFFFF  }
0xc3: {  	[dreg:$0x0] =	wrdreg $0xFFFFFFFF;
	(pc) =	sbr.abs _section_cstart, $3  }
0xc4: {  	[dreg:$0x1] =	wrdreg $0xFFFFFFFF  }
0xc5: {  	_ =	task.clear_ibuf [dreg:s9], $0x2FFFF;
	_ =	strace $0x9FFFFFFF  }
0xc6: {  	(tm) =	ssettm $0x7FFFFFFF  }
0xc7: {  	_ =	shalt  }
tec
execute0_lowered:
.L_overlay_start_1:
0x0: {  	(tag) =	ssettag $0x1  }
0x1: {  	s0 =	rddreg [dreg:$0x0]  }
0x2: {  	s1 =	rddreg [dreg:$0x1]  }
0x3: {  	s2 =	srdreg.scid;
	s4 =	rddreg [dreg:$0x2]  }
0x4: {  	s7 =	rddreg [dreg:$0x3];
	s3 =	stileid.u32;
	s5 =	simm.s32 $0x0  }
0x5: {  	s15 =	simm.s32 $0x5680;
	s16 =	simm.s32 $0x2F00;
	s17 =	simm.s32 $0x7E00  }
0x6: {  	s18 =	simm.s32 $0x5;
	s19 =	simm.s32 $0x1;
	s20 =	simm.s32 $0x2  }
0x7: {  	s21 =	simm.s32 $0xA580;
	s22 =	simm.s32 $0x3;
	s23 =	simm.s32 $0x4  }
0x8: {  	s24 =	simm.s32 $0x80;
	s25 =	simm.s32 $0x400;
	s26 =	simm.s32 $0x0  }
0x9: {  	s6 =	sand.u32 $0x1, s2;
	[smem:$0x7FF] =	sst s5;
	s9 =	sshll.u32 s3, $0x4  }
0xa: {  	s8 =	sshll.u32 s6, $0x4;
	_ =	strace $0x80000047;
	s6 =	ssub.s32 $0x2, s6  }
0xb: {  	s9 =	sand.u32 $0x70, s9;
	s8 =	sor.u32 s3, s8;
	s10 =	sshrl.u32 s6, $0x1  }
0xc: {  	s13 =	sadd.s32 s9, s7;
	s11 =	smul.u32 $0x186A0, s8;
	s30 =	sshll.u32 s8, $0xB  }
.Ltmp0:
0xd: {  	s14 =	ssub.s32 s6, s10;
	s31 =	sand.u32 $0xC000, s30;
	(pc) =	sbr.rel .LBB2_1-.Ltmp0, $4  }
0xe: {  	s12 =	sshrl.u32 s11, $0x3;
	s10 =	sadd.s32 $0x4E20, s11;
	s11 =	sadd.s32 $0x7530, s11  }
0xf: {  	s6 =	sadd.s32 s1, s12;
	s7 =	sadd.s32 s4, s12;
	s29 =	sadd.s32 $0x4E2, s12  }
0x10: {  	v0 =	vimm.f32 $0.0e+00;
	s12 =	sadd.s32 s31, s13;
	s13 =	smax.u32 s14, $0x1;
	s14 =	simm.s32 $0x780  }
0x11: {  	v1 =	vlaneseq.u32;
	vm0 =	vmmov $0x7fff;
	vm1 =	vcmask $0x3F3C;
	s8 =	sadd.s32 s1, s29;
	s9 =	sadd.s32 s4, s29;
	s12 =	sadd.s32 $0x600, s12  }
.LBB2_10:
0x12: {  	s26 =	sadd.s32 $0x1, s26  }
0x13: {  	p0 =	sne.s32 s26, s13  }
.Ltmp1:
0x14: {  	_ = 	snop;
	(pc) =	sbr.rel @!p0 .LBB2_11-.Ltmp1, $4  }
0x15: {  	[hbm4b:s12+s24] =	stream.strided.scatter [tilespmem:s21], [sflag:$0x5], $0x4000, s25, s24, $0x38;
	[tilespmem:$0xE580] =	vst v63  }
0x16: {  	_ =	swait.ge [sflag:s18], $0x4000  }
0x17: {  	[sflag:s18] =	ssyncset.done $0x0  }
0x18: {  	[sflag:s18] =	ssyncadd.s32 $0xFFFFC000  }
.LBB2_1:
0x19: {  	[tilespmem:s14], [sflag:$0x1] =	stream.linear.gather [hbm4b:s6+s5], $0x2710, $0x38;
	[tilespmem:$0xE580] =	vst v63  }
0x1a: {  	_ = 	snop  }
0x1b: {  	[tilespmem:s15], [sflag:$0x2] =	stream.linear.gather [hbm4b:s7+s5], $0x2710, $0x38;
	[tilespmem:$0xE580] =	vst v63  }
0x1c: {  	_ = 	snop  }
0x1d: {  	[tilespmem:s16], [sflag:$0x3] =	stream.linear.gather [hbm4b:s8+s5], $0x2710, $0x38;
	[tilespmem:$0xE580] =	vst v63  }
0x1e: {  	_ = 	snop  }
0x1f: {  	[tilespmem:s17], [sflag:$0x4] =	stream.linear.gather [hbm4b:s9+s5], $0x2710, $0x38;
	[tilespmem:$0xE580] =	vst v63  }
0x20: {  	_ = 	snop  }
0x21: {  	[tilespmem:s5], [sflag:$0x5] =	stream.linear.gather [hbm4b:s0+s5], $0x780, $0x38;
	[tilespmem:$0xE580] =	vst v63  }
0x22: {  	_ =	swait.ge [sflag:s18], $0x780  }
0x23: {  	[sflag:s18] =	ssyncset.done $0x0  }
0x24: {  	s28 =	simm.s32 $0xA5C0;
	[sflag:s18] =	ssyncadd.s32 $0xFFFFF880  }
0x25: {  	[tilespmem:s28+$0xFFFFFFC0] =	vst v0  }
0x26: {  	[tilespmem:s28+$0x30] =	vst v0  }
0x27: {  	[tilespmem:s28+$0x20] =	vst v0  }
0x28: {  	[tilespmem:s28+$0x10] =	vst v0  }
0x29: {  	[tilespmem:s28+$0x0] =	vst v0  }
0x2a: {  	[tilespmem:s28+$0xFFFFFFF0] =	vst v0  }
0x2b: {  	s29 =	simm.s32 $0x0;
	[tilespmem:s28+$0xFFFFFFE0] =	vst v0  }
.LBB2_2:
0x2c: {  	s29 =	sadd.s32 $0x8, s29;
	[tilespmem:s28+$0xFFFFFFD0] =	vst v0;
	s28 =	sadd.s32 $0x80, s28  }
0x2d: {  	[tilespmem:s28+$0xFFFFFFC0] =	vst v0;
	p0 =	slt.u32 s29, $0x3F8  }
0x2e: {  	[tilespmem:s28+$0x30] =	vst v0  }
.Ltmp2:
0x2f: {  	[tilespmem:s28+$0x20] =	vst v0;
	(pc) =	sbr.rel @p0 .LBB2_2-.Ltmp2, $4  }
0x30: {  	[tilespmem:s28+$0x10] =	vst v0  }
0x31: {  	[tilespmem:s28+$0x0] =	vst v0  }
0x32: {  	[tilespmem:s28+$0xFFFFFFF0] =	vst v0  }
0x33: {  	[tilespmem:s28+$0xFFFFFFE0] =	vst v0  }
0x34: {  	[tilespmem:s28+$0xFFFFFFD0] =	vst v0;
	s28 =	simm.s32 $0x0  }
.LBB2_4:
0x35: {  	_ =	swait.ge [sflag:s19], $0x2710  }
0x36: {  	[sflag:s19] =	ssyncset.done $0x0  }
0x37: {  	[sflag:s19] =	ssyncadd.s32 $0xFFFFD8F0  }
0x38: {  	_ =	swait.ge [sflag:s20], $0x2710  }
0x39: {  	[sflag:s20] =	ssyncset.done $0x0  }
0x3a: {  	s29 =	simm.s32 $0x790;
	[sflag:s20] =	ssyncadd.s32 $0xFFFFD8F0  }
0x3b: {  	v2 =	vld [tilespmem:s29+$0x0];
	_ =	sdelay $0x2  }
0x3c: {  	v3 =	vld [tilespmem:s29+$0xFFFFFFF0];
	_ =	sdelay $0x1  }
0x3d: {  	v2 =	vshll.u32 v2, $0x4  }
0x3e: {  	v2 =	vor.u32 v1, v2;
	_ =	sdelay $0x1  }
0x3f: {  	v3 =	vshll.u32 v3, $0x4  }
0x40: {  	s30 =	simm.s32 $0x7B0;
	v5 =	vor.u32 v1, v3  }
0x41: {  	v4 =	vld [tilespmem:s30+$0x0]  }
0x42: {  	v6 =	vld.idx.msk [tilespmem:v2+s5+$0x0], $0xffff;
	_ =	sdelay $0x1  }
0x43: {  	v7 =	vld [tilespmem:s30+$0xFFFFFFF0]  }
0x44: {  	s29 =	simm.s32 $0x5690;
	v8 =	vld.idx.msk [tilespmem:v5+s5+$0x0], $0xffff  }
0x45: {  	v3 =	vld [tilespmem:s29+$0x0]  }
0x46: {  	v4 =	vshll.u32 v4, $0x4;
	v2 =	vld [tilespmem:s29+$0x1];
	(xrf2) =	vadd.scan.msk.f32 $0xffff, v6  }
0x47: {  	v9 =	vor.u32 v1, v4  }
0x48: {  	v5 =	vld [tilespmem:s29+$0xFFFFFFF0]  }
0x49: {  	v4 =	vld [tilespmem:s29+$0xFFFFFFF1];
	v6 =	vshll.u32 v7, $0x4;
	(xrf2) =	vadd.scan.msk.f32 $0xffff, v8  }
0x4a: {  	v6 =	vor.u32 v1, v6  }
0x4b: {  	vm3 =	vne.s32 v3, v2  }
0x4c: {  	s31 =	simm.s32 $0x7D0;
	s30 =	simm.s32 $0x2;
	v7 =	vld.idx.msk [tilespmem:v9+s5+$0x0], $0xffff;
	vm2 =	vmor vm3, vm1  }
.LBB2_5:
0x4d: {  	v8 =	vld [tilespmem:s31+$0x0];
	s30 =	sadd.s32 $0x2, s30;
	vm3 =	vmand vm3, vm0;
	v9 =	vmov v5  }
0x4e: {  	v5 =	vld [tilespmem:s31+$0xFFFFFFF0];
	p0 =	slt.u32 s30, $0x26E;
	vm4 =	vne.s32 v9, v4;
	v10 =	vmov v4  }
0x4f: {  	s29 =	sadd.s32 $0x20, s29;
	v11 =	vld.idx.msk [tilespmem:v6+s5+$0x0], $0xffff;
	vm5 =	vmand vm4, vm0;
	vm4 =	vmor vm4, vm1  }
0x50: {  	v12 =	vld [tilespmem:s29+$0x0];
	v4, _, _ =	vpop (xrf2)  }
0x51: {  	v13 =	vld [tilespmem:s29+$0x1];
	v6 =	vsub.f32 $0.0e+00, v4  }
0x52: {  	v8 =	vshll.u32 v8, $0x4;
	(xrf2) =	vadd.scan.msk.f32 $0xffff, v7;
	[tilespmem:v3+s21+$0x0] =	vst.idx.add.f32.msk vm2, v4  }
0x53: {  	v14 =	vshll.u32 v5, $0x4;
	v7 =	vor.u32 v1, v8;
	[tilespmem:v2+s21+$0x0] =	vst.idx.add.f32.msk vm3, v6;
	v2, _, _ =	vpop (xrf2)  }
.Ltmp3:
0x54: {  	v6 =	vor.u32 v1, v14;
	v5 =	vld [tilespmem:s29+$0xFFFFFFF0];
	v8 =	vsub.f32 $0.0e+00, v2;
	(pc) =	sbr.rel @p0 .LBB2_5-.Ltmp3, $4  }
0x55: {  	v4 =	vld [tilespmem:s29+$0xFFFFFFF1];
	(xrf2) =	vadd.scan.msk.f32 $0xffff, v11;
	v3 =	vmov v12  }
0x56: {  	[tilespmem:v9+s21+$0x0] =	vst.idx.add.f32.msk vm4, v2;
	v2 =	vmov v13  }
0x57: {  	vm3 =	vne.s32 v3, v2;
	[tilespmem:v10+s21+$0x0] =	vst.idx.add.f32.msk vm5, v8  }
0x58: {  	s31 =	sadd.s32 $0x20, s31;
	v7 =	vld.idx.msk [tilespmem:v7+s5+$0x0], $0xffff;
	vm2 =	vmor vm3, vm1  }
0x59: {  	_ =	sdelay $0x3  }
0x5a: {  	v6 =	vld.idx.msk [tilespmem:v6+s5+$0x0], $0xffff  }
0x5b: {  	s29 =	sadd.s32 $0x20, s29  }
0x5c: {  	v8 =	vld [tilespmem:s29+$0x0]  }
0x5d: {  	v9 =	vld [tilespmem:s29+$0x1];
	(xrf2) =	vadd.scan.msk.f32 $0xffff, v7  }
0x5e: {  	v10 =	vld [tilespmem:s29+$0xFFFFFFF1]  }
0x5f: {  	v7 =	vld [tilespmem:s29+$0xFFFFFFF0];
	(xrf2) =	vadd.scan.msk.f32 $0xffff, v6  }
0x60: {  	vm3 =	vmand vm3, vm0;
	vm4 =	vne.s32 v5, v4  }
0x61: {  	vm5 =	vmor vm4, vm1  }
0x62: {  	vm4 =	vmand vm4, vm0;
	vm6 =	vne.s32 v8, v9  }
0x63: {  	v6, _, _ =	vpop (xrf2);
	vm7 =	vmor vm6, vm1  }
0x64: {  	v11 =	vsub.f32 $0.0e+00, v6;
	vm6 =	vmand vm6, vm0;
	vm8 =	vne.s32 v7, v10  }
0x65: {  	v12, _, _ =	vpop (xrf2);
	[tilespmem:v3+s21+$0x0] =	vst.idx.add.f32.msk vm2, v6;
	vm2 =	vmor vm8, vm1  }
0x66: {  	[tilespmem:v2+s21+$0x0] =	vst.idx.add.f32.msk vm3, v11;
	v2 =	vsub.f32 $0.0e+00, v12;
	vm3 =	vmand vm8, vm0  }
0x67: {  	[tilespmem:v5+s21+$0x0] =	vst.idx.add.f32.msk vm5, v12;
	v3, _, _ =	vpop (xrf2)  }
0x68: {  	[tilespmem:v4+s21+$0x0] =	vst.idx.add.f32.msk vm4, v2;
	v2 =	vsub.f32 $0.0e+00, v3  }
0x69: {  	[tilespmem:v8+s21+$0x0] =	vst.idx.add.f32.msk vm7, v3;
	v3, _, _ =	vpop (xrf2)  }
0x6a: {  	[tilespmem:v9+s21+$0x0] =	vst.idx.add.f32.msk vm6, v2;
	v2 =	vsub.f32 $0.0e+00, v3  }
0x6b: {  	[tilespmem:v7+s21+$0x0] =	vst.idx.add.f32.msk vm2, v3  }
0x6c: {  	[tilespmem:v10+s21+$0x0] =	vst.idx.add.f32.msk vm3, v2  }
0x6d: {  	v2 =	vld [tilespmem:$0x2E80];
	_ =	sdelay $0x4  }
0x6e: {  	v2 =	vshll.u32 v2, $0x4  }
0x6f: {  	v2 =	vor.u32 v1, v2;
	_ =	sdelay $0x4  }
0x70: {  	v2 =	vld.idx.msk [tilespmem:v2+s5+$0x0], $0xffff;
	_ =	sdelay $0x3  }
0x71: {  	v3 =	vld [tilespmem:$0x7D80]  }
0x72: {  	v4 =	vld [tilespmem:$0x7D81];
	(xrf2) =	vadd.scan.msk.f32 $0xffff, v2;
	_ =	sdelay $0x4  }
0x73: {  	vm2 =	vne.s32 v3, v4  }
0x74: {  	vm3 =	vmor vm2, vm1  }
0x75: {  	vm2 =	vmand vm2, vm0  }
0x76: {  	p0 =	seq.s32 s28, $0x4  }
0x77: {  	s29 =	smul.u32 @!p0 $0x4E20, s28  }
0x78: {  	v2, _, _ =	vpop (xrf2)  }
0x79: {  	s29 =	sadd.s32 @!p0 s29, s10;
	v5 =	vsub.f32 $0.0e+00, v2  }
0x7a: {  	s29 =	sshrl.u32 @!p0 s29, $0x3;
	[tilespmem:v3+s21+$0x0] =	vst.idx.add.f32.msk vm3, v2  }
0x7b: {  	s31 =	simm.s32 @!p0 $0x0;
	s2 =	simm.s32 @!p0 $0x780;
	s30 =	sadd.s32 @!p0 s1, s29;
	[tilespmem:v4+s21+$0x0] =	vst.idx.add.f32.msk vm2, v5  }
0x7c: {  	[tilespmem:s2], [sflag:$0x1] =	stream.linear.gather @!p0 [hbm4b:s30+s31], $0x2710, $0x38;
	[tilespmem:$0xE580] =	vst v63  }
0x7d: {  	s2 =	sadd.s32 @!p0 s4, s29;
	s29 =	simm.s32 @!p0 $0x5680  }
0x7e: {  	[tilespmem:s29], [sflag:$0x2] =	stream.linear.gather @!p0 [hbm4b:s2+s31], $0x2710, $0x38;
	[tilespmem:$0xE580] =	vst v63  }
0x7f: {  	_ =	swait.ge [sflag:s22], $0x2710  }
0x80: {  	[sflag:s22] =	ssyncset.done $0x0  }
0x81: {  	[sflag:s22] =	ssyncadd.s32 $0xFFFFD8F0  }
0x82: {  	_ =	swait.ge [sflag:s23], $0x2710  }
0x83: {  	[sflag:s23] =	ssyncset.done $0x0  }
0x84: {  	s2 =	simm.s32 $0x2F10;
	[sflag:s23] =	ssyncadd.s32 $0xFFFFD8F0  }
0x85: {  	v2 =	vld [tilespmem:s2+$0x0];
	_ =	sdelay $0x2  }
0x86: {  	v3 =	vld [tilespmem:s2+$0xFFFFFFF0];
	_ =	sdelay $0x1  }
0x87: {  	v2 =	vshll.u32 v2, $0x4  }
0x88: {  	v2 =	vor.u32 v1, v2;
	_ =	sdelay $0x1  }
0x89: {  	v3 =	vshll.u32 v3, $0x4  }
0x8a: {  	s2 =	simm.s32 $0x2F30;
	v5 =	vor.u32 v1, v3  }
0x8b: {  	v4 =	vld [tilespmem:s2+$0x0]  }
0x8c: {  	v6 =	vld.idx.msk [tilespmem:v2+s5+$0x0], $0xffff;
	_ =	sdelay $0x1  }
0x8d: {  	v7 =	vld [tilespmem:s2+$0xFFFFFFF0]  }
0x8e: {  	s29 =	simm.s32 $0x7E10;
	v8 =	vld.idx.msk [tilespmem:v5+s5+$0x0], $0xffff  }
0x8f: {  	v3 =	vld [tilespmem:s29+$0x0]  }
0x90: {  	v4 =	vshll.u32 v4, $0x4;
	v2 =	vld [tilespmem:s29+$0x1];
	(xrf2) =	vadd.scan.msk.f32 $0xffff, v6  }
0x91: {  	v63 =	vor.u32 v1, v4  }
0x92: {  	v5 =	vld [tilespmem:s29+$0xFFFFFFF0]  }
0x93: {  	v4 =	vld [tilespmem:s29+$0xFFFFFFF1];
	v6 =	vshll.u32 v7, $0x4;
	(xrf2) =	vadd.scan.msk.f32 $0xffff, v8  }
0x94: {  	v6 =	vor.u32 v1, v6  }
0x95: {  	vm3 =	vne.s32 v3, v2  }
0x96: {  	s30 =	simm.s32 $0x2;
	s31 =	simm.s32 $0x2F50;
	v7 =	vld.idx.msk [tilespmem:v63+s5+$0x0], $0xffff;
	vm2 =	vmor vm3, vm1  }
.LBB2_7:
0x97: {  	v8 =	vld [tilespmem:s31+$0x0];
	s30 =	sadd.s32 $0x2, s30;
	vm3 =	vmand vm3, vm0;
	v9 =	vmov v5  }
0x98: {  	v5 =	vld [tilespmem:s31+$0xFFFFFFF0];
	p1 =	slt.u32 s30, $0x26E;
	vm4 =	vne.s32 v9, v4;
	v10 =	vmov v4  }
0x99: {  	s29 =	sadd.s32 $0x20, s29;
	v11 =	vld.idx.msk [tilespmem:v6+s5+$0x0], $0xffff;
	vm5 =	vmand vm4, vm0;
	vm4 =	vmor vm4, vm1  }
0x9a: {  	v12 =	vld [tilespmem:s29+$0x0];
	v4, _, _ =	vpop (xrf2)  }
0x9b: {  	v13 =	vld [tilespmem:s29+$0x1];
	v6 =	vsub.f32 $0.0e+00, v4  }
0x9c: {  	v8 =	vshll.u32 v8, $0x4;
	(xrf2) =	vadd.scan.msk.f32 $0xffff, v7;
	[tilespmem:v3+s21+$0x0] =	vst.idx.add.f32.msk vm2, v4  }
0x9d: {  	v14 =	vshll.u32 v5, $0x4;
	v7 =	vor.u32 v1, v8;
	[tilespmem:v2+s21+$0x0] =	vst.idx.add.f32.msk vm3, v6;
	v2, _, _ =	vpop (xrf2)  }
.Ltmp4:
0x9e: {  	v6 =	vor.u32 v1, v14;
	v5 =	vld [tilespmem:s29+$0xFFFFFFF0];
	v8 =	vsub.f32 $0.0e+00, v2;
	(pc) =	sbr.rel @p1 .LBB2_7-.Ltmp4, $4  }
0x9f: {  	v4 =	vld [tilespmem:s29+$0xFFFFFFF1];
	(xrf2) =	vadd.scan.msk.f32 $0xffff, v11;
	v3 =	vmov v12  }
0xa0: {  	[tilespmem:v9+s21+$0x0] =	vst.idx.add.f32.msk vm4, v2;
	v2 =	vmov v13  }
0xa1: {  	vm3 =	vne.s32 v3, v2;
	[tilespmem:v10+s21+$0x0] =	vst.idx.add.f32.msk vm5, v8  }
0xa2: {  	s31 =	sadd.s32 $0x20, s31;
	v7 =	vld.idx.msk [tilespmem:v7+s5+$0x0], $0xffff;
	vm2 =	vmor vm3, vm1  }
0xa3: {  	_ =	sdelay $0x3  }
0xa4: {  	v6 =	vld.idx.msk [tilespmem:v6+s5+$0x0], $0xffff  }
0xa5: {  	s2 =	sadd.s32 $0x20, s29  }
0xa6: {  	v8 =	vld [tilespmem:s2+$0x0]  }
0xa7: {  	v9 =	vld [tilespmem:s2+$0x1];
	(xrf2) =	vadd.scan.msk.f32 $0xffff, v7  }
0xa8: {  	v61 =	vld [tilespmem:s2+$0xFFFFFFF0]  }
0xa9: {  	v10 =	vld [tilespmem:s2+$0xFFFFFFF1];
	(xrf2) =	vadd.scan.msk.f32 $0xffff, v6  }
0xaa: {  	vm3 =	vmand vm3, vm0;
	vm4 =	vne.s32 v5, v4  }
0xab: {  	vm5 =	vmor vm4, vm1  }
0xac: {  	vm4 =	vmand vm4, vm0;
	vm6 =	vne.s32 v8, v9  }
0xad: {  	v62, _, _ =	vpop (xrf2);
	vm7 =	vmor vm6, vm1  }
0xae: {  	v11 =	vsub.f32 $0.0e+00, v62;
	vm8 =	vne.s32 v61, v10;
	vm6 =	vmand vm6, vm0  }
0xaf: {  	[tilespmem:v3+s21+$0x0] =	vst.idx.add.f32.msk vm2, v62;
	v12, _, _ =	vpop (xrf2);
	vm2 =	vmor vm8, vm1  }
0xb0: {  	[tilespmem:v2+s21+$0x0] =	vst.idx.add.f32.msk vm3, v11;
	v2 =	vsub.f32 $0.0e+00, v12;
	vm3 =	vmand vm8, vm0  }
0xb1: {  	[tilespmem:v5+s21+$0x0] =	vst.idx.add.f32.msk vm5, v12;
	v3, _, _ =	vpop (xrf2)  }
0xb2: {  	[tilespmem:v4+s21+$0x0] =	vst.idx.add.f32.msk vm4, v2;
	v2 =	vsub.f32 $0.0e+00, v3  }
0xb3: {  	[tilespmem:v8+s21+$0x0] =	vst.idx.add.f32.msk vm7, v3;
	v3, _, _ =	vpop (xrf2)  }
0xb4: {  	[tilespmem:v9+s21+$0x0] =	vst.idx.add.f32.msk vm6, v2;
	v2 =	vsub.f32 $0.0e+00, v3  }
0xb5: {  	[tilespmem:v61+s21+$0x0] =	vst.idx.add.f32.msk vm2, v3  }
0xb6: {  	[tilespmem:v10+s21+$0x0] =	vst.idx.add.f32.msk vm3, v2  }
0xb7: {  	v2 =	vld [tilespmem:$0x5600];
	_ =	sdelay $0x4  }
0xb8: {  	v2 =	vshll.u32 v2, $0x4  }
0xb9: {  	v2 =	vor.u32 v1, v2;
	_ =	sdelay $0x4  }
0xba: {  	v2 =	vld.idx.msk [tilespmem:v2+s5+$0x0], $0xffff;
	_ =	sdelay $0x3  }
0xbb: {  	v3 =	vld [tilespmem:$0xA500]  }
0xbc: {  	v4 =	vld [tilespmem:$0xA501];
	(xrf2) =	vadd.scan.msk.f32 $0xffff, v2;
	_ =	sdelay $0x4  }
0xbd: {  	vm2 =	vne.s32 v3, v4  }
0xbe: {  	vm3 =	vmor vm2, vm1  }
0xbf: {  	vm2 =	vmand vm2, vm0;
	_ =	sdelay $0x1  }
.Ltmp5:
0xc0: {  	_ = 	snop;
	(pc) =	sbr.rel @p0 .LBB2_10-.Ltmp5, $4  }
0xc1: {  	v2, _, _ =	vpop (xrf2)  }
0xc2: {  	v63 =	vsub.f32 $0.0e+00, v2  }
0xc3: {  	[tilespmem:v3+s21+$0x0] =	vst.idx.add.f32.msk vm3, v2  }
0xc4: {  	[tilespmem:v4+s21+$0x0] =	vst.idx.add.f32.msk vm2, v63  }
0xc5: {  	s2 =	smul.u32 $0x4E20, s28;
	_ =	sdelay $0x1  }
0xc6: {  	s2 =	sadd.s32 s2, s11  }
.Ltmp6:
0xc7: {  	s2 =	sshrl.u32 s2, $0x3;
	(pc) =	sbr.rel .LBB2_4-.Ltmp6, $4  }
0xc8: {  	s29 =	sadd.s32 s1, s2  }
0xc9: {  	[tilespmem:s16], [sflag:$0x3] =	stream.linear.gather [hbm4b:s29+s5], $0x2710, $0x38;
	[tilespmem:$0xE580] =	vst v63  }
0xca: {  	s28 =	sadd.s32 $0x1, s28;
	s2 =	sadd.s32 s4, s2  }
0xcb: {  	[tilespmem:s17], [sflag:$0x4] =	stream.linear.gather [hbm4b:s2+s5], $0x2710, $0x38;
	[tilespmem:$0xE580] =	vst v63  }
.LBB2_11:
0xcc: {  	_ =	sfence.sel $0x180000  }
0xcd: {  	[bflag:$0x0] =	sbarrier.arrive $0xFFFF  }
0xce: {  	_ =	strace $0x90000047  }
0xcf: {  	[bflag:$0x2] =	sbarrier.arrive $0xFFFF  }
0xd0: {  	p0 =	sne.s32 s3, $0x0;
	s0 =	rddreg [dreg:$0x4]  }
0xd1: {  	s0 =	sadd.s32 @!p0 $0x100000, s0  }
0xd2: {  	[sflag:s0] =	ssyncadd.tile.s32 @!p0 $0x1;
	_ =	shalt  }
.Lfunc_end2:
_tile_overlayer_lowered:
.L_overlay_start_2:
0xd3: {  	(tag) =	ssettag $0x2  }
0xd4: {  	s0 =	rddreg [dreg:$0x0];
	s2 =	stileid.u32  }
0xd5: {  	s1 =	rddreg [dreg:$0x1];
	p0 =	sne.s32 s2, $0x0  }
0xd6: {  	s3 =	rddreg [dreg:$0x2];
	[bflag:$0x3] =	sbarrier.arrive $0xFFFF;
	s2 =	simm.s32 @!p0 $0x1C05  }
0xd7: {  	[timem:s3], [sflag:s2] =	dma.local @!p0 [hbm:s0], s1  }
0xd8: {  	s0 =	simm.s32 @!p0 $0x5  }
0xd9: {  	_ =	swait.ge @!p0 [sflag:s0], s1  }
0xda: {  	s1 =	ssub.s32 @!p0 $0x0, s1;
	[sflag:s0] =	ssyncset.done @!p0 $0x0  }
0xdb: {  	[sflag:s0] =	ssyncadd.s32 @!p0 s1  }
0xdc: {  	[bflag:$0x3] =	sbarrier.arrive $0xFFFF  }
0xdd: {  	_ =	shalt  }

</sc_bundles>
